<compile_context>
chip_gen: v7x
topology: tpu7x:2x2x1
jax: 0.10.2.dev20260603
libtpu: 0.0.44.dev20260713+nightly
codegen_flags: <defaults>
</compile_context>

<pallas_src>
import functools

import jax
import jax.numpy as jnp
from jax import lax
from jax.experimental import pallas as pl
from jax.experimental.pallas import tpu as pltpu
from jax.experimental.pallas import tpu_sc as plsc

N = 10000
NP = 10240
E = 320000
NC = 2
NS = 16
NW = NC * NS
CH = 128
EPT = NP
CPT = EPT // CH
EP = EPT * NW
RPS = NP // NS
D1 = 128
D2 = 64
DH = 256

_MESH = plsc.VectorSubcoreMesh(core_axis_name="c", subcore_axis_name="s")
_SC_PARAMS = pltpu.CompilerParams(needs_layout_passes=False)
_SC_PARAMS_LINEAR = pltpu.CompilerParams(
    needs_layout_passes=False, use_tc_tiling_on_sc=False)



def _deg_body(dst_hbm, zdeg_hbm, out_hbm, dstv, table):
    c = lax.axis_index("c")
    s = lax.axis_index("s")
    w = s * NC + c
    pltpu.sync_copy(zdeg_hbm, table)
    pltpu.sync_copy(dst_hbm.at[pl.ds(w * EPT, EPT)], dstv)
    ones = jnp.ones((16,), jnp.float32)

    def step(i, carry):
        idx = dstv[pl.ds(i * 16, 16)]
        plsc.addupdate_scatter(table, [idx], ones)
        return carry

    lax.fori_loop(0, EPT // 16, step, 0)
    pltpu.sync_copy(table, out_hbm.at[w])


@functools.partial(jax.jit, static_argnames=())
def _deg(dst_pad, zdeg):
    k = pl.kernel(
        _deg_body,
        out_type=jax.ShapeDtypeStruct((NW, NP), jnp.float32),
        mesh=_MESH,
        scratch_types=[
            pltpu.VMEM((EPT,), jnp.int32),
            pltpu.VMEM((NP,), jnp.float32),
        ],
        compiler_params=_SC_PARAMS,
    )
    return k(dst_pad, zdeg)


def _prop_body(D, src_hbm, dst_hbm, ytab_hbm, zero_hbm, out_hbm,
               src0, dst0, src1, dst1, rows0, rows1, acc, sem0, sem1):
    c = lax.axis_index("c")
    s = lax.axis_index("s")
    w = s * NC + c
    pltpu.sync_copy(zero_hbm, rows0)
    for j in range(RPS // CH):
        pltpu.sync_copy(rows0, acc.at[pl.ds(s * RPS + j * CH, CH)])
    plsc.subcore_barrier()

    def gather(i, srcv, rows, sem):
        base = (w * CPT + i) * CH
        pltpu.sync_copy(src_hbm.at[pl.ds(base, CH)], srcv)
        pltpu.async_copy(ytab_hbm.at[srcv], rows, sem)

    def scatter(i, srcv, dstv, rows, sem):
        base = (w * CPT + i) * CH
        pltpu.sync_copy(dst_hbm.at[pl.ds(base, CH)], dstv)
        pltpu.make_async_copy(ytab_hbm.at[srcv], rows, sem).wait()
        pltpu.sync_copy(rows, acc.at[dstv], add=True)

    gather(0, src0, rows0, sem0)

    def step(j, carry):
        gather(2 * j + 1, src1, rows1, sem1)
        scatter(2 * j, src0, dst0, rows0, sem0)
        gather(2 * j + 2, src0, rows0, sem0)
        scatter(2 * j + 1, src1, dst1, rows1, sem1)
        return carry

    lax.fori_loop(0, CPT // 2 - 1, step, 0)
    gather(CPT - 1, src1, rows1, sem1)
    scatter(CPT - 2, src0, dst0, rows0, sem0)
    scatter(CPT - 1, src1, dst1, rows1, sem1)
    plsc.subcore_barrier()
    for j in range(RPS // CH):
        sl = pl.ds(s * RPS + j * CH, CH)
        pltpu.sync_copy(acc.at[sl], rows0)
        pltpu.sync_copy(rows0, out_hbm.at[c, sl])


def _prop(src_pad, dst_pad, ytab, zero, D):
    k = pl.kernel(
        functools.partial(_prop_body, D),
        out_type=jax.ShapeDtypeStruct((NC, NP, D), jnp.float32),
        mesh=_MESH,
        scratch_types=[
            pltpu.VMEM((CH,), jnp.int32),
            pltpu.VMEM((CH,), jnp.int32),
            pltpu.VMEM((CH,), jnp.int32),
            pltpu.VMEM((CH,), jnp.int32),
            pltpu.VMEM((CH, D), jnp.float32),
            pltpu.VMEM((CH, D), jnp.float32),
            pltpu.VMEM_SHARED((NP, D), jnp.float32),
            pltpu.SemaphoreType.DMA,
            pltpu.SemaphoreType.DMA,
        ],
        compiler_params=_SC_PARAMS_LINEAR,
    )
    return k(src_pad, dst_pad, ytab, zero)



def _prep_body(x_ref, degp_ref, y1_ref, dinv_ref):
    deg = jnp.sum(degp_ref[...], axis=0) + 1.0
    di = lax.rsqrt(deg)
    dinv_ref[...] = di
    y1_ref[...] = x_ref[...] * di


def _prep(x_pad, degp_col):
    return pl.pallas_call(
        _prep_body,
        grid=(NP // 128,),
        in_specs=[
            pl.BlockSpec((128, D1), lambda g: (g, 0)),
            pl.BlockSpec((NW, 128, 1), lambda g: (0, g, 0)),
        ],
        out_specs=[
            pl.BlockSpec((128, D1), lambda g: (g, 0)),
            pl.BlockSpec((128, 1), lambda g: (g, 0)),
        ],
        out_shape=[
            jax.ShapeDtypeStruct((NP, D1), jnp.float32),
            jax.ShapeDtypeStruct((NP, 1), jnp.float32),
        ],
    )(x_pad, degp_col)


def _mlp_body(s1_ref, y1_ref, dinv_ref, w1_ref, b1_ref, wc_ref, y2_ref):
    di = dinv_ref[...]
    agg = di * (s1_ref[0] + s1_ref[1] + y1_ref[...])
    h = jnp.dot(agg, w1_ref[...], preferred_element_type=jnp.float32)
    h = jnp.maximum(h + b1_ref[...], 0.0)
    g = jnp.dot(h, wc_ref[...], preferred_element_type=jnp.float32)
    y2_ref[...] = di * g


def _mlp(s1p, y1, dinv, W1, b1r, Wc):
    return pl.pallas_call(
        _mlp_body,
        grid=(NP // 128,),
        in_specs=[
            pl.BlockSpec((NC, 128, D1), lambda g: (0, g, 0)),
            pl.BlockSpec((128, D1), lambda g: (g, 0)),
            pl.BlockSpec((128, 1), lambda g: (g, 0)),
            pl.BlockSpec((D1, DH), lambda g: (0, 0)),
            pl.BlockSpec((1, DH), lambda g: (0, 0)),
            pl.BlockSpec((DH, D2), lambda g: (0, 0)),
        ],
        out_specs=pl.BlockSpec((128, D2), lambda g: (g, 0)),
        out_shape=jax.ShapeDtypeStruct((NP, D2), jnp.float32),
    )(s1p, y1, dinv, W1, b1r, Wc)


def _final_body(s2_ref, y2_ref, dinv_ref, bc_ref, o_ref):
    di = dinv_ref[...]
    o_ref[...] = di * (s2_ref[0] + s2_ref[1] + y2_ref[...]) + bc_ref[...]


def _final(s2p, y2, dinv, bcr):
    return pl.pallas_call(
        _final_body,
        grid=(NP // 128,),
        in_specs=[
            pl.BlockSpec((NC, 128, D2), lambda g: (0, g, 0)),
            pl.BlockSpec((128, D2), lambda g: (g, 0)),
            pl.BlockSpec((128, 1), lambda g: (g, 0)),
            pl.BlockSpec((1, D2), lambda g: (0, 0)),
        ],
        out_specs=pl.BlockSpec((128, D2), lambda g: (g, 0)),
        out_shape=jax.ShapeDtypeStruct((NP, D2), jnp.float32),
    )(s2p, y2, dinv, bcr)



def kernel(x, edge_index, W1, b1, Wmu, bmu, Wls, bls):
    src = edge_index[0]
    dst = edge_index[1]
    pad = jnp.full((EP - E,), N, dtype=jnp.int32)
    src_pad = jnp.concatenate([src, pad])
    dst_pad = jnp.concatenate([dst, pad])
    src3 = src_pad.reshape(NW, CPT, CH)
    dst3 = dst_pad.reshape(NW, CPT, CH)
    x_pad = jnp.concatenate(
        [x, jnp.zeros((NP - N, D1), jnp.float32)], axis=0)

    zdeg = jnp.zeros((NP,), jnp.float32)
    zrow1 = jnp.zeros((CH, D1), jnp.float32)
    zrow2 = jnp.zeros((CH, D2), jnp.float32)

    degp = _deg(dst_pad, zdeg)
    degp_col = degp.reshape(NW, NP, 1)

    y1, dinv = _prep(x_pad, degp_col)
    s1p = _prop(src_pad, dst_pad, y1, zrow1, D1)

    Wc = jnp.concatenate([Wmu, Wls], axis=1)
    bc = jnp.concatenate([bmu, bls]).reshape(1, D2)
    y2 = _mlp(s1p, y1, dinv, W1, b1.reshape(1, DH), Wc)

    s2p = _prop(src_pad, dst_pad, y2, zrow2, D2)
    out = _final(s2p, y2, dinv, bc)

    mu = out[:N, :32]
    logstd = out[:N, 32:]
    return (mu, logstd)

# --- scband reference (transcript-rebuilt; emitter-appended) ---
"""Pipeline reference for scband-st-aa-30520037605631 (READ-ONLY COPY).

The authoritative reference and input builder live on the scoring server;
editing this copy changes nothing except your own understanding.
"""

import jax, jax.numpy as jnp
import numpy as np

N_NODES = 10000
N_EDGES = 320000
D_IN = 128
D_HID = 256
D_EMB = 32


def sgconv(x, src, dst, W, b):
    # PyG SGConv with K=1: x' = D^{-1/2} (A + I) D^{-1/2} x, then linear.
    N = x.shape[0]
    loop = jnp.arange(N, dtype=src.dtype)
    src2 = jnp.concatenate([src, loop])
    dst2 = jnp.concatenate([dst, loop])
    ew = jnp.ones(src2.shape[0], dtype=x.dtype)
    deg = jnp.zeros((N,), dtype=x.dtype).at[dst2].add(ew)
    dinv = jnp.where(deg > 0, 1.0 / jnp.sqrt(deg), 0.0)
    norm = dinv[src2] * dinv[dst2]
    msg = jnp.take(x, src2, axis=0) * norm[:, None]
    agg = jnp.zeros_like(x).at[dst2].add(msg)
    return agg @ W + b


def setup_inputs(seed: int = 0) -> dict:
    key = jax.random.key(seed)
    k = jax.random.split(key, 8)
    x = jax.random.normal(k[0], (N_NODES, D_IN), dtype=jnp.float32)
    edge_index = jax.random.randint(k[1], (2, N_EDGES), 0, N_NODES, dtype=jnp.int32)
    W1 = jax.random.normal(k[2], (D_IN, D_HID), dtype=jnp.float32) * 0.05
    b1 = jnp.zeros((D_HID,), dtype=jnp.float32)
    Wmu = jax.random.normal(k[3], (D_HID, D_EMB), dtype=jnp.float32) * 0.05
    bmu = jnp.zeros((D_EMB,), dtype=jnp.float32)
    Wls = jax.random.normal(k[4], (D_HID, D_EMB), dtype=jnp.float32) * 0.05
    bls = jnp.zeros((D_EMB,), dtype=jnp.float32)
    return {"x": x, "edge_index": edge_index, "W1": W1, "b1": b1, "Wmu": Wmu, "bmu": bmu, "Wls": Wls, "bls": bls}


def reference(x, edge_index, W1, b1, Wmu, bmu, Wls, bls):
    src = edge_index[0]
    dst = edge_index[1]
    h = jax.nn.relu(sgconv(x, src, dst, W1, b1))
    mu = sgconv(h, src, dst, Wmu, bmu)
    logstd = sgconv(h, src, dst, Wls, bls)
    return (mu, logstd)

if __name__ == "__main__":
    import jax
    _d = setup_inputs()
    print(jax.jit(kernel)(*tuple(_d.values())))

</pallas_src>

<mosaic_0001>
#map = affine_map<(d0, d1) -> (0)>
#map1 = affine_map<(d0, d1) -> (0, 0)>
module attributes {stable_mosaic.version = 14 : i64} {
  func.func @_deg_body(%arg0: i32, %arg1: i32, %arg2: memref<327680xi32, #tpu.memory_space<hbm>>, %arg3: memref<10240xf32, #tpu.memory_space<hbm>>, %arg4: memref<32x10240xf32, #tpu.memory_space<hbm>>, %arg5: memref<10240xi32, #tpu.memory_space<vmem>>, %arg6: memref<10240xf32, #tpu.memory_space<vmem>>) attributes {dimension_semantics = [#tpu.dimension_semantics<core_parallel>, #tpu.dimension_semantics<subcore_parallel>], iteration_bounds = array<i64: 2, 16>, scalar_prefetch = 0 : i64, scratch_operands = 2 : i64, tpu.core_type = #tpu.core_type<sc_vector_subcore>, window_params = [{transform_indices = #map}, {transform_indices = #map}, {transform_indices = #map1}]} {
    %mul3A = arith.constant 2 : i32
    %mul3A_0 = arith.muli %arg1, %mul3A : i32
    %add3A = arith.addi %mul3A_0, %arg0 : i32
    "tpu.region"() ({
      %run_scoped3A = tpu.sem_alloc : memref<!tpu.dma_semaphore, #tpu.memory_space<semaphore_mem>>
      tpu.enqueue_dma source(%arg3 : memref<10240xf32, #tpu.memory_space<hbm>>) target(%arg6 : memref<10240xf32, #tpu.memory_space<vmem>>) target_semaphore(%run_scoped3A : memref<!tpu.dma_semaphore, #tpu.memory_space<semaphore_mem>>)
      tpu.wait_dma2 semaphore(%run_scoped3A : memref<!tpu.dma_semaphore, #tpu.memory_space<semaphore_mem>>) src(%arg3 : memref<10240xf32, #tpu.memory_space<hbm>>) dst(%arg6 : memref<10240xf32, #tpu.memory_space<vmem>>)
      tpu.yield
    }) : () -> ()
    %mul3A_1 = arith.constant 10240 : i32
    %mul3A_2 = arith.muli %add3A, %mul3A_1 : i32
    "tpu.region"() ({
      %run_scoped3A = tpu.sem_alloc : memref<!tpu.dma_semaphore, #tpu.memory_space<semaphore_mem>>
      %dma_start3A = tpu.memref_slice %arg2[%mul3A_2] : memref<327680xi32, #tpu.memory_space<hbm>> -> memref<10240xi32, #tpu.memory_space<hbm>>
      %dma_start3A_9 = tpu.memref_slice %arg2[%mul3A_2] : memref<327680xi32, #tpu.memory_space<hbm>> -> memref<10240xi32, #tpu.memory_space<hbm>>
      tpu.enqueue_dma source(%dma_start3A_9 : memref<10240xi32, #tpu.memory_space<hbm>>) target(%arg5 : memref<10240xi32, #tpu.memory_space<vmem>>) target_semaphore(%run_scoped3A : memref<!tpu.dma_semaphore, #tpu.memory_space<semaphore_mem>>)
      %dma_wait3A = tpu.memref_slice %arg2[%mul3A_2] : memref<327680xi32, #tpu.memory_space<hbm>> -> memref<10240xi32, #tpu.memory_space<hbm>>
      %dma_wait3A_10 = tpu.memref_slice %arg2[%mul3A_2] : memref<327680xi32, #tpu.memory_space<hbm>> -> memref<10240xi32, #tpu.memory_space<hbm>>
      tpu.wait_dma2 semaphore(%run_scoped3A : memref<!tpu.dma_semaphore, #tpu.memory_space<semaphore_mem>>) src(%dma_wait3A_10 : memref<10240xi32, #tpu.memory_space<hbm>>) dst(%arg5 : memref<10240xi32, #tpu.memory_space<vmem>>)
      tpu.yield
    }) : () -> ()
    %broadcast_in_dim3A = arith.constant 1.000000e+00 : f32
    %broadcast_in_dim3A_3 = vector.broadcast %broadcast_in_dim3A : f32 to vector<16xf32>
    %scan3A = arith.constant 0 : i32
    %scan3A_4 = arith.constant 0 : i32
    %scan3A_5 = arith.constant 640 : i32
    %scan3A_6 = arith.addi %scan3A_4, %scan3A_5 : i32
    %scan3A_7 = arith.constant 1 : i32
    scf.for %scan3A_9 = %scan3A_4 to %scan3A_6 step %scan3A_7  : i32 {
      %mul3A_10 = arith.constant 16 : i32
      %mul3A_11 = arith.muli %scan3A_9, %mul3A_10 : i32
      %get3A = arith.index_cast %mul3A_11 : i32 to index
      %get3A_12 = tpu.vector_load %arg5[%get3A] {strides = array<i32>} : memref<10240xi32, #tpu.memory_space<vmem>>, vector<16xi32>,
      tpu.vector_store_idx %arg6[%get3A_12], %broadcast_in_dim3A_3 {add = true} : memref<10240xf32, #tpu.memory_space<vmem>>[vector<16xi32>], vector<16xf32>,
    }
    %scan3A_8 = arith.constant 640 : i32
    "tpu.region"() ({
      %run_scoped3A = tpu.sem_alloc : memref<!tpu.dma_semaphore, #tpu.memory_space<semaphore_mem>>
      %dma_start3A = arith.constant 0 : i32
      %dma_start3A_9 = tpu.memref_slice %arg4[%add3A, %dma_start3A] : memref<32x10240xf32, #tpu.memory_space<hbm>> -> memref<1x10240xf32, #tpu.memory_space<hbm>>
      %dma_start3A_10 = tpu.memref_squeeze %dma_start3A_9 : memref<1x10240xf32, #tpu.memory_space<hbm>> -> memref<10240xf32, #tpu.memory_space<hbm>>
      %dma_start3A_11 = arith.constant 0 : i32
      %dma_start3A_12 = tpu.memref_slice %arg4[%add3A, %dma_start3A_11] : memref<32x10240xf32, #tpu.memory_space<hbm>> -> memref<1x10240xf32, #tpu.memory_space<hbm>>
      %dma_start3A_13 = tpu.memref_squeeze %dma_start3A_12 : memref<1x10240xf32, #tpu.memory_space<hbm>> -> memref<10240xf32, #tpu.memory_space<hbm>>
      tpu.enqueue_dma source(%arg6 : memref<10240xf32, #tpu.memory_space<vmem>>) target(%dma_start3A_13 : memref<10240xf32, #tpu.memory_space<hbm>>) target_semaphore(%run_scoped3A : memref<!tpu.dma_semaphore, #tpu.memory_space<semaphore_mem>>)
      %dma_wait3A = arith.constant 0 : i32
      %dma_wait3A_14 = tpu.memref_slice %arg4[%add3A, %dma_wait3A] : memref<32x10240xf32, #tpu.memory_space<hbm>> -> memref<1x10240xf32, #tpu.memory_space<hbm>>
      %dma_wait3A_15 = tpu.memref_squeeze %dma_wait3A_14 : memref<1x10240xf32, #tpu.memory_space<hbm>> -> memref<10240xf32, #tpu.memory_space<hbm>>
      %dma_wait3A_16 = arith.constant 0 : i32
      %dma_wait3A_17 = tpu.memref_slice %arg4[%add3A, %dma_wait3A_16] : memref<32x10240xf32, #tpu.memory_space<hbm>> -> memref<1x10240xf32, #tpu.memory_space<hbm>>
      %dma_wait3A_18 = tpu.memref_squeeze %dma_wait3A_17 : memref<1x10240xf32, #tpu.memory_space<hbm>> -> memref<10240xf32, #tpu.memory_space<hbm>>
      tpu.wait_dma2 semaphore(%run_scoped3A : memref<!tpu.dma_semaphore, #tpu.memory_space<semaphore_mem>>) src(%arg6 : memref<10240xf32, #tpu.memory_space<vmem>>) dst(%dma_wait3A_18 : memref<10240xf32, #tpu.memory_space<hbm>>)
      tpu.yield
    }) : () -> ()
    return
  }
}

</mosaic_0001>

<sc_bundles>
// kernel: _deg.3.cloned.1.call-start
scs
__scs_entry_jumppad:
0x0: {  	(pc) =	sbr.rel $0x88, $3  }
0x1: {  	(tag) =	ssettag $0x0;
	lr =	simm.s32 $0x1  }
0x2: {  	[smem:$0x3F9F] =	sst lr;
	_ =	strace $0xD0000000  }
0x3: {  	_ = 	snop  }
0x4: {  	_ = 	snop  }
0x5: {  	_ = 	snop  }
0x6: {  	_ = 	snop  }
0x7: {  	_ = 	snop  }
__scs_overlays_trampoline_lowered:
0x8: {  	[smem:$0x3FAE] =	sst s0  }
0x9: {  	[smem:$0x3FAF] =	sst s1  }
0xa: {  	[smem:$0x3FB0] =	sst s2  }
0xb: {  	[smem:$0x3FB1] =	sst s3  }
0xc: {  	[smem:$0x3FB2] =	sst s4  }
0xd: {  	[smem:$0x3FB3] =	sst s5  }
0xe: {  	[smem:$0x3FB4] =	sst s6  }
0xf: {  	[smem:$0x3FB5] =	sst s7  }
0x10: {  	[smem:$0x3FB6] =	sst s8  }
0x11: {  	[smem:$0x3FB7] =	sst s9;
	s0 =	simm.s32 @!p0 $0x0  }
0x12: {  	s1 =	sld [smem:$0x3F9D];
	s0 =	simm.s32 @p0 $0x1  }
0x13: {  	[smem:$0x3FB8] =	sst s0;
	s0 =	simm.s32 @!p1 $0x0  }
0x14: {  	s2 =	sld [smem:$0x3F9C];
	s0 =	simm.s32 @p1 $0x1  }
0x15: {  	[smem:$0x3FB9] =	sst s0;
	s0 =	simm.s32 @!p2 $0x0  }
0x16: {  	s3 =	sld [smem:$0x3FDB];
	s0 =	simm.s32 @p2 $0x1  }
0x17: {  	s4 =	simm.s32 $0x1BF5;
	[smem:$0x3FBB] =	sst s0  }
0x18: {  	s0 =	sld [smem:$0x3F9E];
	_ =	swait.ge [sflag:s4], $0x0  }
0x19: {  	s7 =	sld [smem:$0x3F9F]  }
0x1a: {  	s8 =	sadd.s32 $0xFFFFE003, lr  }
0x1b: {  	s9 =	sadd.s32 $0xFFFFFEF7, lr;
	s5 =	simm.s32 $0xFFFFFFFF;
	p2 =	slt.u32 s8, $0xFFFFF086  }
0x1c: {  	p1 =	slt.u32 s9, $0xF7A;
	s5 =	simm.s32 @!p2 $0x0  }
0x1d: {  	s5 =	simm.s32 @p1 $0x1;
	p0 =	seq.s32 s7, s2  }
0x1e: {  	s7 =	smul.u32 @!p0 $0xF7A, s2;
	p2 =	seq.s32 @!p0 s5, $0x0  }
0x1f: {  	s9 =	smul.u32 $0xF7A, s1;
	s8 =	simm.s32 @!p0 $0x1BF5;
	p2 =	por !p2, p0  }
0x20: {  	[sflag:s8] =	ssyncset.s32 @!p0 $0xFFFFF086;
	s6 =	sadd.s32 @!p0 s3, s7;
	s7 =	simm.s32 @!p0 $0x108  }
0x21: {  	s3 =	sadd.s32 s3, s9;
	s6 =	sadd.s32 @!p0 $0x88, s6;
	s7 =	simm.s32 @p2 $0x1082  }
0x22: {  	[simem:s7], [sflag:s8] =	dma.local @!p0 [hbm:s6], $0xF7A  }
0x23: {  	s9 =	sor.u32 $0xD0000000, s2;
	s6 =	simm.s32 $0x108;
	_ =	swait.ge @!p0 [sflag:s8], $0x0  }
0x24: {  	s3 =	sadd.s32 $0x88, s3;
	s6 =	simm.s32 @!p1 $0x1082;
	[sflag:s4] =	ssyncset.s32 $0xFFFFF086  }
0x25: {  	[simem:s6], [sflag:s4] =	dma.local [hbm:s3], $0xF7A  }
0x26: {  	[smem:$0x3F9F] =	sst s1;
	(tag) =	ssettag s2;
	_ =	strace s9  }
0x27: {  	s1 =	sld [smem:$0x3FAF]  }
0x28: {  	s2 =	sld [smem:$0x3FB0]  }
0x29: {  	s4 =	sld [smem:$0x3FB2]  }
0x2a: {  	p0 =	seq.s32 s5, $0x0;
	s5 =	sld [smem:$0x3FB3]  }
0x2b: {  	s6 =	sld [smem:$0x3FB4]  }
0x2c: {  	s7 =	sld [smem:$0x3FB5]  }
0x2d: {  	s3 =	simm.s32 $0x108;
	s8 =	sld [smem:$0x3FB6]  }
0x2e: {  	s3 =	simm.s32 @!p0 $0x1082;
	s9 =	sld [smem:$0x3FB7]  }
0x2f: {  	lr =	sadd.s32 s0, s3;
	s0 =	sld [smem:$0x3FAE]  }
0x30: {  	s3 =	sld [smem:$0x3FB1]  }
0x31: {  	[smem:$0x3FBA] =	sst s10  }
0x32: {  	s10 =	sld [smem:$0x3FB8];
	_ =	sdelay $0x3  }
0x33: {  	p0 =	seq.s32 s10, $0x1;
	s10 =	sld [smem:$0x3FBA];
	_ =	sdelay $0x3  }
0x34: {  	[smem:$0x3FBA] =	sst s10  }
0x35: {  	s10 =	sld [smem:$0x3FB9];
	_ =	sdelay $0x3  }
0x36: {  	p1 =	seq.s32 s10, $0x1;
	s10 =	sld [smem:$0x3FBA];
	_ =	sdelay $0x3  }
0x37: {  	[smem:$0x3FBA] =	sst s10  }
0x38: {  	s10 =	sld [smem:$0x3FBB]  }
0x39: {  	_ = 	snop;
	(pc) =	sbr.ind lr, $3  }
0x3a: {  	_ = 	snop  }
0x3b: {  	_ = 	snop  }
0x3c: {  	p2 =	seq.s32 s10, $0x1;
	s10 =	sld [smem:$0x3FBA]  }
0x3d: {  	_ =	shalt  }
0x3e: {  	_ =	shalt  }
0x3f: {  	_ =	shalt  }
0x40: {  	_ =	shalt  }
0x41: {  	_ =	shalt  }
0x42: {  	_ =	shalt  }
0x43: {  	_ =	shalt  }
0x44: {  	_ =	shalt  }
0x45: {  	_ =	shalt  }
0x46: {  	_ =	shalt  }
0x47: {  	_ =	shalt  }
0x48: {  	_ =	shalt  }
0x49: {  	_ =	shalt  }
0x4a: {  	_ =	shalt  }
0x4b: {  	_ =	shalt  }
0x4c: {  	_ =	shalt  }
0x4d: {  	_ =	shalt  }
0x4e: {  	_ =	shalt  }
0x4f: {  	_ =	shalt  }
0x50: {  	_ =	shalt  }
0x51: {  	_ =	shalt  }
0x52: {  	_ =	shalt  }
0x53: {  	_ =	shalt  }
0x54: {  	_ =	shalt  }
0x55: {  	_ =	shalt  }
0x56: {  	_ =	shalt  }
0x57: {  	_ =	shalt  }
0x58: {  	_ =	shalt  }
0x59: {  	_ =	shalt  }
0x5a: {  	_ =	shalt  }
0x5b: {  	_ =	shalt  }
0x5c: {  	_ =	shalt  }
0x5d: {  	_ =	shalt  }
0x5e: {  	_ =	shalt  }
0x5f: {  	_ =	shalt  }
0x60: {  	_ =	shalt  }
0x61: {  	_ =	shalt  }
0x62: {  	_ =	shalt  }
0x63: {  	_ =	shalt  }
0x64: {  	_ =	shalt  }
0x65: {  	_ =	shalt  }
0x66: {  	_ =	shalt  }
0x67: {  	_ =	shalt  }
0x68: {  	_ =	shalt  }
0x69: {  	_ =	shalt  }
0x6a: {  	_ =	shalt  }
0x6b: {  	_ =	shalt  }
0x6c: {  	_ =	shalt  }
0x6d: {  	_ =	shalt  }
0x6e: {  	_ =	shalt  }
0x6f: {  	_ =	shalt  }
0x70: {  	_ =	shalt  }
0x71: {  	_ =	shalt  }
0x72: {  	_ =	shalt  }
0x73: {  	_ =	shalt  }
0x74: {  	_ =	shalt  }
0x75: {  	_ =	shalt  }
0x76: {  	_ =	shalt  }
0x77: {  	_ =	shalt  }
0x78: {  	_ =	shalt  }
0x79: {  	_ =	shalt  }
0x7a: {  	_ =	shalt  }
0x7b: {  	_ =	shalt  }
0x7c: {  	_ =	shalt  }
0x7d: {  	_ =	shalt  }
0x7e: {  	_ =	shalt  }
0x7f: {  	_ =	shalt  }
0x80: {  	_ =	shalt  }
0x81: {  	_ =	shalt  }
0x82: {  	_ =	shalt  }
0x83: {  	_ =	shalt  }
0x84: {  	_ =	shalt  }
0x85: {  	_ =	shalt  }
0x86: {  	_ =	shalt  }
0x87: {  	_ =	shalt  }
.Lfunc_end0:
.L_simem_size_0:
called_computation_lowered:
.L_overlay_start_0:
0x88: {  	s2 =	sld [smem:$0x3FD9]  }
0x89: {  	s3 =	sld [smem:$0x3FFE];
	_ =	sdelay $0x1  }
0x8a: {  	s1 =	srdreg.scid  }
0x8b: {  	s0 =	sand.u32 $0x1, s1  }
0x8c: {  	s18 =	sshll.u32 s0, $0xA;
	s2 =	sadd.s32 s3, s2  }
0x8d: {  	s2 =	sadd.s32 s2, s18  }
0x8e: {  	[smem:$0x3FC6] =	sst s2  }
0x8f: {  	_ = 	snop  }
0x90: {  	s2 =	sld [smem:$0x3FC9]  }
0x91: {  	s19 =	sld [smem:$0x3FC8]  }
0x92: {  	s4 =	sld [smem:$0x3FD0];
	(tm) =	ssettm $0x1  }
0x93: {  	s5 =	sld [smem:$0x3FFB];
	_ =	sdelay $0x3  }
0x94: {  	_ =	strace s5  }
0x95: {  	s5 =	sld [smem:$0x3FFC];
	_ =	sdelay $0x3  }
0x96: {  	_ =	strace s5  }
0x97: {  	s5 =	sld [smem:$0x3FFD];
	_ =	sdelay $0x3  }
0x98: {  	_ =	strace s5  }
0x99: {  	_ =	strace $0x8FFFFFFF  }
0x9a: {  	s20 =	sld [smem:$0x3FDB];
	_ =	sdelay $0x1  }
0x9b: {  	s6 =	simm.s32 $_scs_section_size  }
0x9c: {  	s7 =	simm.s32 $_size__tile_overlayer_lowered;
	s8 =	simm.s32 $_tile_overlayer_lowered  }
0x9d: {  	s23 =	simm.s32 $0x1BFF;
	s22 =	sshll.u32 s8, $0x1;
	s5 =	sadd.s32 s6, s20  }
0x9e: {  	s9 =	simm.s32 $0x0;
	s21 =	sshll.u32 s7, $0x1;
	s7 =	sadd.s32 s22, s5  }
0x9f: {  	[timem:s9], [sflag:s23] =	dma.local [hbm:s7], s21  }
0xa0: {  	_ =	swait.ge [sflag:s23], s21  }
0xa1: {  	s6 =	ssub.s32 $0x0, s21;
	[sflag:s23] =	ssyncset.done $0x0  }
0xa2: {  	[sflag:s23] =	ssyncadd.s32 s6;
	_ =	sdelay $0x1  }
0xa3: {  	s24 =	simm.s32 $0x1B8B  }
0xa4: {  	_ =	swait.ge [sflag:s24], $0x1  }
0xa5: {  	[sflag:s24] =	ssyncset.done $0x0  }
0xa6: {  	s25 =	simm.s32 $0x1B8E;
	[sflag:s24] =	ssyncadd.s32 $0xFFFFFFFF  }
0xa7: {  	s26 =	simm.s32 $execute0_lowered;
	[smem:$0x3FD2] =	sst s25  }
0xa8: {  	s6 =	sshll.u32 s26, $0x1;
	_ =	strace $0x80000046;
	[dreg:$0x1] =	wrdreg $0xFFFFFFFF  }
0xa9: {  	s28 =	simm.s32 $_size_execute0_lowered;
	s5 =	sadd.s32 s5, s6;
	[dreg:$0x0] =	wrdreg $0x0  }
0xaa: {  	s6 =	sshll.u32 s28, $0x1;
	[dreg:$0x2] =	wrdreg s5  }
0xab: {  	[dreg:$0x3] =	wrdreg s6  }
0xac: {  	[dreg:$0x4] =	wrdreg $0xC0  }
0xad: {  	_ =	task [dreg:s9], $0x5FFFF  }
0xae: {  	[dreg:$0x1] =	wrdreg $0xFFFFFFFF  }
0xaf: {  	[dreg:$0x0] =	wrdreg $0x60  }
0xb0: {  	[dreg:$0x2] =	wrdreg s2  }
0xb1: {  	[dreg:$0x3] =	wrdreg s19  }
0xb2: {  	[dreg:$0x4] =	wrdreg s4  }
0xb3: {  	[dreg:$0x5] =	wrdreg $0x9  }
0xb4: {  	_ =	task.clear_ibuf [dreg:s9], $0x6FFFF;
	_ =	strace $0x90000046  }
0xb5: {  	s29 =	simm.s32 $0x9;
	_ =	strace $0x80000048  }
0xb6: {  	_ =	swait.ge [sflag:s29], $0x1  }
0xb7: {  	[sflag:s29] =	ssyncadd.s32 $0xFFFFFFFF  }
0xb8: {  	_ =	strace $0x90000048  }
0xb9: {  	_ =	sfence  }
0xba: {  	s30 =	sld [smem:$0x0];
	_ =	sdelay $0x2  }
0xbb: {  	s31 =	sshll.u32 s1, $0xD;
	s1 =	sshrl.u32 s1, $0x2  }
0xbc: {  	s3 =	sand.u32 $0x4000, s31;
	s1 =	sadd.s32 s1, s30  }
0xbd: {  	s0 =	sor.u32 s3, s0;
	s1 =	sshll.u32 s1, $0x11  }
0xbe: {  	s0 =	sor.u32 s1, s0  }
0xbf: {  	s0 =	sadd.s32 $0x8F2B, s0  }
0xc0: {  	[sflag:s0] =	ssyncadd.remote.s32 $0x1  }
0xc1: {  	_ =	sfence.sel $0xFFFF  }
0xc2: {  	[dreg:$0x0] =	wrdreg $0xFFFFFFFF;
	(pc) =	sbr.abs _section_cstart, $3  }
0xc3: {  	[dreg:$0x1] =	wrdreg $0xFFFFFFFF  }
0xc4: {  	_ =	task.clear_ibuf [dreg:s9], $0x2FFFF;
	_ =	strace $0x9FFFFFFF  }
0xc5: {  	(tm) =	ssettm $0x7FFFFFFF  }
tec
execute0_lowered:
.L_overlay_start_1:
0x0: {  	(tag) =	ssettag $0x1  }
0x1: {  	s4 =	rddreg [dreg:$0x0]  }
0x2: {  	s2 =	rddreg [dreg:$0x1];
	s1 =	srdreg.scid  }
0x3: {  	s0 =	stileid.u32;
	s5 =	rddreg [dreg:$0x2];
	s10 =	simm.s32 $0x400  }
0x4: {  	s11 =	simm.s32 $0x0;
	s6 =	sand.u32 $0x1, s1;
	s3 =	sshll.u32 s0, $0x1  }
0x5: {  	s1 =	rddreg [dreg:$0x3];
	s8 =	sshrl.u32 s0, $0x2;
	s7 =	sor.u32 s6, s3  }
0x6: {  	s3 =	simm.s32 $0x0;
	s8 =	smul.u32 $0x14000, s8;
	s6 =	ssub.s32 $0x2, s6  }
0x7: {  	s9 =	sshll.u32 s7, $0x7;
	[smem:$0x7FF] =	sst s3;
	s7 =	smul.u32 $0x500, s7  }
0x8: {  	s31 =	sshrl.u32 s6, $0x1;
	s9 =	sand.u32 $0x380, s9;
	_ =	strace $0x80000047  }
0x9: {  	s6 =	ssub.s32 s6, s31;
	s8 =	sor.u32 s8, s9;
	s4 =	sadd.s32 s4, s7  }
0xa: {  	s6 =	smax.u32 s6, $0x1;
	s7 =	simm.s32 $0x2800;
	s8 =	sshrl.u32 s8, $0x3  }
0xb: {  	v0 =	vimm.f32 $1.000000000e+00;
	s9 =	simm.s32 $0x80;
	s5 =	sadd.s32 s5, s8;
	s8 =	simm.s32 $0x1  }
.LBB2_1:
0xc: {  	[tilespmem:s7], [sflag:$0x1] =	stream.linear.gather [hbm4b:s2+s3], $0x2800, $0x38;
	[tilespmem:$0x5000] =	vst v63  }
0xd: {  	_ =	swait.ge [sflag:s8], $0x2800  }
0xe: {  	[sflag:s8] =	ssyncset.done $0x0  }
0xf: {  	[sflag:s8] =	ssyncadd.s32 $0xFFFFD800  }
0x10: {  	[tilespmem:s3], [sflag:$0x1] =	stream.linear.gather [hbm4b:s4+s3], $0x2800, $0x38;
	[tilespmem:$0x5000] =	vst v63  }
0x11: {  	_ =	swait.ge [sflag:s8], $0x2800  }
0x12: {  	[sflag:s8] =	ssyncset.done $0x0  }
0x13: {  	s13 =	simm.s32 $0x0;
	s12 =	simm.s32 $0x40;
	[sflag:s8] =	ssyncadd.s32 $0xFFFFD800  }
.LBB2_2:
0x14: {  	p0 =	sne.s32 s12, $0x9FC0;
	v1 =	vld [tilespmem:s13+$0x0];
	_ =	sdelay $0x3  }
.Ltmp0:
0x15: {  	(pc) =	sbr.rel @p0 .LBB2_2-.Ltmp0, $2  }
0x16: {  	_ =	sdelay $0x2  }
0x17: {  	s13 =	sshra.s32 s12, $0x2;
	s12 =	sadd.s32 $0x40, s12;
	[tilespmem:v1+s7+$0x0] =	vst.idx.add.f32.msk $0xffff, v0  }
0x18: {  	v1 =	vld [tilespmem:s13+$0x0];
	_ =	sdelay $0x5  }
0x19: {  	s11 =	sadd.s32 $0x1, s11  }
0x1a: {  	p0 =	sne.s32 s11, s6  }
.Ltmp1:
0x1b: {  	[tilespmem:v1+s7+$0x0] =	vst.idx.add.f32.msk $0xffff, v0;
	(pc) =	sbr.rel @p0 .LBB2_1-.Ltmp1, $4  }
0x1c: {  	[hbm4b:s5+s9] =	stream.strided.scatter [tilespmem:s7], [sflag:$0x1], $0x2800, s10, s9, $0x38;
	[tilespmem:$0x5000] =	vst v63  }
0x1d: {  	_ =	swait.ge [sflag:s8], $0x2800  }
0x1e: {  	[sflag:s8] =	ssyncset.done $0x0  }
0x1f: {  	[sflag:s8] =	ssyncadd.s32 $0xFFFFD800  }
0x20: {  	_ =	sfence.sel $0x180000  }
0x21: {  	[bflag:$0x0] =	sbarrier.arrive $0xFFFF  }
0x22: {  	p0 =	sne.s32 s0, $0x0;
	_ =	strace $0x90000047  }
0x23: {  	s0 =	sadd.s32 @!p0 $0x100000, s1;
	[bflag:$0x2] =	sbarrier.arrive $0xFFFF  }
0x24: {  	[sflag:s0] =	ssyncadd.tile.s32 @!p0 $0x1;
	_ =	shalt  }
.Lfunc_end2:
_tile_overlayer_lowered:
.L_overlay_start_2:
0x25: {  	(tag) =	ssettag $0x2  }
0x26: {  	s0 =	rddreg [dreg:$0x0];
	s2 =	stileid.u32  }
0x27: {  	s1 =	rddreg [dreg:$0x1];
	p0 =	sne.s32 s2, $0x0  }
0x28: {  	s3 =	rddreg [dreg:$0x2];
	[bflag:$0x3] =	sbarrier.arrive $0xFFFF;
	s2 =	simm.s32 @!p0 $0x1C01  }
0x29: {  	[timem:s3], [sflag:s2] =	dma.local @!p0 [hbm:s0], s1  }
0x2a: {  	s0 =	simm.s32 @!p0 $0x1  }
0x2b: {  	_ =	swait.ge @!p0 [sflag:s0], s1  }
0x2c: {  	s1 =	ssub.s32 @!p0 $0x0, s1;
	[sflag:s0] =	ssyncset.done @!p0 $0x0  }
0x2d: {  	[sflag:s0] =	ssyncadd.s32 @!p0 s1  }
0x2e: {  	[bflag:$0x3] =	sbarrier.arrive $0xFFFF  }
0x2f: {  	_ =	shalt  }

</sc_bundles>
